<compile_context>
chip_gen: v7x
topology: tpu7x:2x2x1
jax: 0.10.2.dev20260603
libtpu: 0.0.44.dev20260713+nightly
codegen_flags: <defaults>
</compile_context>

<pallas_src>
import functools

import jax
import jax.numpy as jnp
from jax import lax
from jax.experimental import pallas as pl
from jax.experimental.pallas import tpu as pltpu
from jax.experimental.pallas import tpu_sc as plsc

BATCH = 16384
VOCAB = 1000
EMBED = 64
NC = 2
NS = 16
NW = NC * NS
BPW = BATCH // NW


def _sc_embed(idx0, idx1, table):
  mesh = plsc.VectorSubcoreMesh(core_axis_name="c", subcore_axis_name="s")

  @functools.partial(
      pl.kernel,
      mesh=mesh,
      compiler_params=pltpu.CompilerParams(use_tc_tiling_on_sc=False,
                                           needs_layout_passes=False,
                                           disable_bounds_checks=True,
                                           disable_semaphore_checks=True),
      out_type=jax.ShapeDtypeStruct((BATCH, 2 * EMBED), jnp.float32),
      scratch_types=[
          pltpu.VMEM((BPW,), jnp.int32),
          pltpu.VMEM((BPW,), jnp.int32),
          pltpu.VMEM((BPW, EMBED), jnp.float32),
          pltpu.VMEM((BPW, EMBED), jnp.float32),
          pltpu.VMEM_SHARED((2 * VOCAB, EMBED), jnp.float32),
          pltpu.SemaphoreType.DMA,
          pltpu.SemaphoreType.DMA,
          pltpu.SemaphoreType.DMA,
      ],
  )
  def body(idx0_hbm, idx1_hbm, tbl_hbm, out_hbm,
           i0_v, i1_v, r0_v, r1_v, tbl_s, isem, gsem, wsem):
    sid = lax.axis_index("s")
    wid = sid * NC + lax.axis_index("c")
    base = wid * BPW
    l0 = pltpu.async_copy(idx0_hbm.at[pl.ds(base, BPW)], i0_v, isem)
    l1 = pltpu.async_copy(idx1_hbm.at[pl.ds(base, BPW)], i1_v, isem)
    rpt = 2 * VOCAB // NS
    pltpu.sync_copy(tbl_hbm.at[pl.ds(sid * rpt, rpt)],
                    tbl_s.at[pl.ds(sid * rpt, rpt)])
    plsc.subcore_barrier()
    l0.wait()
    g0 = pltpu.async_copy(tbl_s.at[i0_v], r0_v, gsem)
    l1.wait()
    g1 = pltpu.async_copy(tbl_s.at[i1_v], r1_v, gsem)
    g0.wait()
    g1.wait()
    w0 = pltpu.async_copy(
        r0_v, out_hbm.at[pl.ds(base, BPW), pl.ds(0, EMBED)], wsem)
    w1 = pltpu.async_copy(
        r1_v, out_hbm.at[pl.ds(base, BPW), pl.ds(EMBED, EMBED)], wsem)
    w0.wait()
    w1.wait()

  return body(idx0, idx1, table)


def kernel(symbolic_instructions_batch, landmark_table, theta_table,
           radius_table):
  sib = symbolic_instructions_batch.astype(jnp.int32)
  table = jnp.concatenate([landmark_table, theta_table], axis=0)
  return _sc_embed(sib[:, 0], sib[:, 1] + VOCAB, table)

# --- scband reference (transcript-rebuilt; emitter-appended) ---
"""Pipeline reference for scband-symbolic-instruction-module-50929722196531 (READ-ONLY COPY).

The authoritative reference and input builder live on the scoring server;
editing this copy changes nothing except your own understanding.
"""

import jax, jax.numpy as jnp
import numpy as np

BATCH = 16384
VOCAB = 1000
EMBED_DIM = 64

def setup_inputs(seed: int = 0) -> dict:
    key = jax.random.key(seed)
    k1, k2, k3, k4 = jax.random.split(key, 4)
    # instructions: each row is (landmark_i, theta_1, theta_2, r)
    symbolic_instructions_batch = jax.random.randint(k1, (BATCH, 4), 0, VOCAB, dtype=jnp.int64)
    # learned embedding tables (nn.Embedding weights)
    landmark_table = jax.random.normal(k2, (VOCAB, EMBED_DIM), dtype=jnp.float32)
    theta_table = jax.random.normal(k3, (VOCAB, EMBED_DIM), dtype=jnp.float32)
    radius_table = jax.random.normal(k4, (VOCAB, EMBED_DIM), dtype=jnp.float32)  # unused in forward, kept for parity
    return {
        "symbolic_instructions_batch": symbolic_instructions_batch,
        "landmark_table": landmark_table,
        "theta_table": theta_table,
        "radius_table": radius_table,
    }

def reference(symbolic_instructions_batch, landmark_table, theta_table, radius_table):
    # Original loops over batch elements: for each (landmark_i, theta_1, theta_2, r)
    # it embeds landmark_i and theta_1, cats along dim=1 -> [1, 2d], then cats the
    # batch list along dim=0 -> [B, 2d]. Vectorized equivalent:
    landmark_i = symbolic_instructions_batch[:, 0]
    theta_1 = symbolic_instructions_batch[:, 1]
    landmark_emb = jnp.take(landmark_table, landmark_i, axis=0)  # [B, d]
    theta_emb = jnp.take(theta_table, theta_1, axis=0)           # [B, d]
    return jnp.concatenate([landmark_emb, theta_emb], axis=1)    # [B, 2d]

if __name__ == "__main__":
    import jax
    _d = setup_inputs()
    print(jax.jit(kernel)(*tuple(_d.values())))

</pallas_src>

<mosaic_0001>
#map = affine_map<(d0, d1) -> (0)>
#map1 = affine_map<(d0, d1) -> (0, 0)>
module attributes {stable_mosaic.version = 14 : i64} {
  func.func @body(%arg0: i32, %arg1: i32, %arg2: memref<16384xi32, #tpu.memory_space<hbm>>, %arg3: memref<16384xi32, #tpu.memory_space<hbm>>, %arg4: memref<2000x64xf32, #tpu.memory_space<hbm>>, %arg5: memref<16384x128xf32, #tpu.memory_space<hbm>>, %arg6: memref<512xi32, #tpu.memory_space<vmem>>, %arg7: memref<512xi32, #tpu.memory_space<vmem>>, %arg8: memref<512x64xf32, #tpu.memory_space<vmem>>, %arg9: memref<512x64xf32, #tpu.memory_space<vmem>>, %arg10: memref<2000x64xf32, #tpu.memory_space<vmem_shared>>, %arg11: memref<!tpu.dma_semaphore, #tpu.memory_space<semaphore_mem>>, %arg12: memref<!tpu.dma_semaphore, #tpu.memory_space<semaphore_mem>>, %arg13: memref<!tpu.dma_semaphore, #tpu.memory_space<semaphore_mem>>) attributes {dimension_semantics = [#tpu.dimension_semantics<core_parallel>, #tpu.dimension_semantics<subcore_parallel>], iteration_bounds = array<i64: 2, 16>, scalar_prefetch = 0 : i64, scratch_operands = 8 : i64, tpu.core_type = #tpu.core_type<sc_vector_subcore>, window_params = [{transform_indices = #map}, {transform_indices = #map}, {transform_indices = #map1}, {transform_indices = #map1}]} {
    %mul3A = arith.constant 2 : i32
    %mul3A_0 = arith.muli %arg1, %mul3A : i32
    %add3A = arith.addi %mul3A_0, %arg0 : i32
    %mul3A_1 = arith.constant 512 : i32
    %mul3A_2 = arith.muli %add3A, %mul3A_1 : i32
    %dma_start3A = tpu.memref_slice %arg2[%mul3A_2] : memref<16384xi32, #tpu.memory_space<hbm>> -> memref<512xi32, #tpu.memory_space<hbm>>
    %dma_start3A_3 = tpu.memref_slice %arg2[%mul3A_2] : memref<16384xi32, #tpu.memory_space<hbm>> -> memref<512xi32, #tpu.memory_space<hbm>>
    tpu.enqueue_dma source(%dma_start3A_3 : memref<512xi32, #tpu.memory_space<hbm>>) target(%arg6 : memref<512xi32, #tpu.memory_space<vmem>>) target_semaphore(%arg11 : memref<!tpu.dma_semaphore, #tpu.memory_space<semaphore_mem>>)
    %dma_start3A_4 = tpu.memref_slice %arg3[%mul3A_2] : memref<16384xi32, #tpu.memory_space<hbm>> -> memref<512xi32, #tpu.memory_space<hbm>>
    %dma_start3A_5 = tpu.memref_slice %arg3[%mul3A_2] : memref<16384xi32, #tpu.memory_space<hbm>> -> memref<512xi32, #tpu.memory_space<hbm>>
    tpu.enqueue_dma source(%dma_start3A_5 : memref<512xi32, #tpu.memory_space<hbm>>) target(%arg7 : memref<512xi32, #tpu.memory_space<vmem>>) target_semaphore(%arg11 : memref<!tpu.dma_semaphore, #tpu.memory_space<semaphore_mem>>)
    %mul3A_6 = arith.constant 125 : i32
    %mul3A_7 = arith.muli %arg1, %mul3A_6 : i32
    %mul3A_8 = arith.constant 125 : i32
    %mul3A_9 = arith.muli %arg1, %mul3A_8 : i32
    "tpu.region"() ({
      %run_scoped3A = tpu.sem_alloc : memref<!tpu.dma_semaphore, #tpu.memory_space<semaphore_mem>>
      %dma_start3A_41 = arith.constant 0 : i32
      %dma_start3A_42 = tpu.memref_slice %arg10[%mul3A_9, %dma_start3A_41] : memref<2000x64xf32, #tpu.memory_space<vmem_shared>> -> memref<125x64xf32, #tpu.memory_space<vmem_shared>>
      %dma_start3A_43 = arith.constant 0 : i32
      %dma_start3A_44 = tpu.memref_slice %arg4[%mul3A_7, %dma_start3A_43] : memref<2000x64xf32, #tpu.memory_space<hbm>> -> memref<125x64xf32, #tpu.memory_space<hbm>>
      tpu.enqueue_dma source(%dma_start3A_44 : memref<125x64xf32, #tpu.memory_space<hbm>>) target(%dma_start3A_42 : memref<125x64xf32, #tpu.memory_space<vmem_shared>>) target_semaphore(%run_scoped3A : memref<!tpu.dma_semaphore, #tpu.memory_space<semaphore_mem>>)
      %dma_wait3A_45 = arith.constant 0 : i32
      %dma_wait3A_46 = tpu.memref_slice %arg10[%mul3A_9, %dma_wait3A_45] : memref<2000x64xf32, #tpu.memory_space<vmem_shared>> -> memref<125x64xf32, #tpu.memory_space<vmem_shared>>
      %dma_wait3A_47 = arith.constant 0 : i32
      %dma_wait3A_48 = tpu.memref_slice %arg4[%mul3A_7, %dma_wait3A_47] : memref<2000x64xf32, #tpu.memory_space<hbm>> -> memref<125x64xf32, #tpu.memory_space<hbm>>
      tpu.wait_dma2 semaphore(%run_scoped3A : memref<!tpu.dma_semaphore, #tpu.memory_space<semaphore_mem>>) src(%dma_wait3A_48 : memref<125x64xf32, #tpu.memory_space<hbm>>) dst(%dma_wait3A_46 : memref<125x64xf32, #tpu.memory_space<vmem_shared>>)
      tpu.yield
    }) : () -> ()
    %barrier3A = arith.constant 0 : index
    tpu.barrier barrier_id(%barrier3A)
    %dma_wait3A = tpu.memref_slice %arg2[%mul3A_2] : memref<16384xi32, #tpu.memory_space<hbm>> -> memref<512xi32, #tpu.memory_space<hbm>>
    %dma_wait3A_10 = tpu.memref_slice %arg2[%mul3A_2] : memref<16384xi32, #tpu.memory_space<hbm>> -> memref<512xi32, #tpu.memory_space<hbm>>
    tpu.wait_dma2 semaphore(%arg11 : memref<!tpu.dma_semaphore, #tpu.memory_space<semaphore_mem>>) src(%dma_wait3A_10 : memref<512xi32, #tpu.memory_space<hbm>>) dst(%arg6 : memref<512xi32, #tpu.memory_space<vmem>>)
    %dma_start3A_11 = arith.constant 0 : i32
    %dma_start3A_12 = arith.constant 0 : i32
    %dma_start3A_13 = tpu.memref_slice %arg10[%dma_start3A_11, %dma_start3A_12] : memref<2000x64xf32, #tpu.memory_space<vmem_shared>> -> memref<2000x64xf32, #tpu.memory_space<vmem_shared>>
    tpu.enqueue_indirect_dma source(%dma_start3A_13 : memref<2000x64xf32, #tpu.memory_space<vmem_shared>>) target(%arg8 : memref<512x64xf32, #tpu.memory_space<vmem>>) offsets(%arg6 : memref<512xi32, #tpu.memory_space<vmem>>) semaphore(%arg12 : memref<!tpu.dma_semaphore, #tpu.memory_space<semaphore_mem>>)
    %dma_wait3A_14 = tpu.memref_slice %arg3[%mul3A_2] : memref<16384xi32, #tpu.memory_space<hbm>> -> memref<512xi32, #tpu.memory_space<hbm>>
    %dma_wait3A_15 = tpu.memref_slice %arg3[%mul3A_2] : memref<16384xi32, #tpu.memory_space<hbm>> -> memref<512xi32, #tpu.memory_space<hbm>>
    tpu.wait_dma2 semaphore(%arg11 : memref<!tpu.dma_semaphore, #tpu.memory_space<semaphore_mem>>) src(%dma_wait3A_15 : memref<512xi32, #tpu.memory_space<hbm>>) dst(%arg7 : memref<512xi32, #tpu.memory_space<vmem>>)
    %dma_start3A_16 = arith.constant 0 : i32
    %dma_start3A_17 = arith.constant 0 : i32
    %dma_start3A_18 = tpu.memref_slice %arg10[%dma_start3A_16, %dma_start3A_17] : memref<2000x64xf32, #tpu.memory_space<vmem_shared>> -> memref<2000x64xf32, #tpu.memory_space<vmem_shared>>
    tpu.enqueue_indirect_dma source(%dma_start3A_18 : memref<2000x64xf32, #tpu.memory_space<vmem_shared>>) target(%arg9 : memref<512x64xf32, #tpu.memory_space<vmem>>) offsets(%arg7 : memref<512xi32, #tpu.memory_space<vmem>>) semaphore(%arg12 : memref<!tpu.dma_semaphore, #tpu.memory_space<semaphore_mem>>)
    %dma_wait3A_19 = arith.constant 0 : i32
    %dma_wait3A_20 = arith.constant 0 : i32
    %dma_wait3A_21 = tpu.memref_slice %arg10[%dma_wait3A_19, %dma_wait3A_20] : memref<2000x64xf32, #tpu.memory_space<vmem_shared>> -> memref<2000x64xf32, #tpu.memory_space<vmem_shared>>
    tpu.wait_indirect_dma semaphore(%arg12 : memref<!tpu.dma_semaphore, #tpu.memory_space<semaphore_mem>>) src(%dma_wait3A_21 : memref<2000x64xf32, #tpu.memory_space<vmem_shared>>) dst(%arg8 : memref<512x64xf32, #tpu.memory_space<vmem>>)
    %dma_wait3A_22 = arith.constant 0 : i32
    %dma_wait3A_23 = arith.constant 0 : i32
    %dma_wait3A_24 = tpu.memref_slice %arg10[%dma_wait3A_22, %dma_wait3A_23] : memref<2000x64xf32, #tpu.memory_space<vmem_shared>> -> memref<2000x64xf32, #tpu.memory_space<vmem_shared>>
    tpu.wait_indirect_dma semaphore(%arg12 : memref<!tpu.dma_semaphore, #tpu.memory_space<semaphore_mem>>) src(%dma_wait3A_24 : memref<2000x64xf32, #tpu.memory_space<vmem_shared>>) dst(%arg9 : memref<512x64xf32, #tpu.memory_space<vmem>>)
    %dma_start3A_25 = arith.constant 0 : i32
    %dma_start3A_26 = tpu.memref_slice %arg5[%mul3A_2, %dma_start3A_25] : memref<16384x128xf32, #tpu.memory_space<hbm>> -> memref<512x64xf32, #tpu.memory_space<hbm>>
    %dma_start3A_27 = arith.constant 0 : i32
    %dma_start3A_28 = tpu.memref_slice %arg5[%mul3A_2, %dma_start3A_27] : memref<16384x128xf32, #tpu.memory_space<hbm>> -> memref<512x64xf32, #tpu.memory_space<hbm>>
    tpu.enqueue_dma source(%arg8 : memref<512x64xf32, #tpu.memory_space<vmem>>) target(%dma_start3A_28 : memref<512x64xf32, #tpu.memory_space<hbm>>) target_semaphore(%arg13 : memref<!tpu.dma_semaphore, #tpu.memory_space<semaphore_mem>>)
    %dma_start3A_29 = arith.constant 64 : i32
    %dma_start3A_30 = tpu.memref_slice %arg5[%mul3A_2, %dma_start3A_29] : memref<16384x128xf32, #tpu.memory_space<hbm>> -> memref<512x64xf32, #tpu.memory_space<hbm>>
    %dma_start3A_31 = arith.constant 64 : i32
    %dma_start3A_32 = tpu.memref_slice %arg5[%mul3A_2, %dma_start3A_31] : memref<16384x128xf32, #tpu.memory_space<hbm>> -> memref<512x64xf32, #tpu.memory_space<hbm>>
    tpu.enqueue_dma source(%arg9 : memref<512x64xf32, #tpu.memory_space<vmem>>) target(%dma_start3A_32 : memref<512x64xf32, #tpu.memory_space<hbm>>) target_semaphore(%arg13 : memref<!tpu.dma_semaphore, #tpu.memory_space<semaphore_mem>>)
    %dma_wait3A_33 = arith.constant 0 : i32
    %dma_wait3A_34 = tpu.memref_slice %arg5[%mul3A_2, %dma_wait3A_33] : memref<16384x128xf32, #tpu.memory_space<hbm>> -> memref<512x64xf32, #tpu.memory_space<hbm>>
    %dma_wait3A_35 = arith.constant 0 : i32
    %dma_wait3A_36 = tpu.memref_slice %arg5[%mul3A_2, %dma_wait3A_35] : memref<16384x128xf32, #tpu.memory_space<hbm>> -> memref<512x64xf32, #tpu.memory_space<hbm>>
    tpu.wait_dma2 semaphore(%arg13 : memref<!tpu.dma_semaphore, #tpu.memory_space<semaphore_mem>>) src(%arg8 : memref<512x64xf32, #tpu.memory_space<vmem>>) dst(%dma_wait3A_36 : memref<512x64xf32, #tpu.memory_space<hbm>>)
    %dma_wait3A_37 = arith.constant 64 : i32
    %dma_wait3A_38 = tpu.memref_slice %arg5[%mul3A_2, %dma_wait3A_37] : memref<16384x128xf32, #tpu.memory_space<hbm>> -> memref<512x64xf32, #tpu.memory_space<hbm>>
    %dma_wait3A_39 = arith.constant 64 : i32
    %dma_wait3A_40 = tpu.memref_slice %arg5[%mul3A_2, %dma_wait3A_39] : memref<16384x128xf32, #tpu.memory_space<hbm>> -> memref<512x64xf32, #tpu.memory_space<hbm>>
    tpu.wait_dma2 semaphore(%arg13 : memref<!tpu.dma_semaphore, #tpu.memory_space<semaphore_mem>>) src(%arg9 : memref<512x64xf32, #tpu.memory_space<vmem>>) dst(%dma_wait3A_40 : memref<512x64xf32, #tpu.memory_space<hbm>>)
    return
  }
}

</mosaic_0001>

<sc_bundles>
// kernel: kernel.3.cloned.1.call-start
scs
__scs_entry_jumppad:
0x0: {  	(pc) =	sbr.rel $0x88, $3  }
0x1: {  	(tag) =	ssettag $0x0;
	lr =	simm.s32 $0x1  }
0x2: {  	[smem:$0x3F9E] =	sst lr;
	_ =	strace $0xD0000000  }
0x3: {  	_ = 	snop  }
0x4: {  	_ = 	snop  }
0x5: {  	_ = 	snop  }
0x6: {  	_ = 	snop  }
0x7: {  	_ = 	snop  }
__scs_overlays_trampoline_lowered:
0x8: {  	[smem:$0x3FAD] =	sst s0  }
0x9: {  	[smem:$0x3FAE] =	sst s1  }
0xa: {  	[smem:$0x3FAF] =	sst s2  }
0xb: {  	[smem:$0x3FB0] =	sst s3  }
0xc: {  	[smem:$0x3FB1] =	sst s4  }
0xd: {  	[smem:$0x3FB2] =	sst s5  }
0xe: {  	[smem:$0x3FB3] =	sst s6  }
0xf: {  	[smem:$0x3FB4] =	sst s7  }
0x10: {  	[smem:$0x3FB5] =	sst s8  }
0x11: {  	[smem:$0x3FB6] =	sst s9;
	s0 =	simm.s32 @!p0 $0x0  }
0x12: {  	s1 =	sld [smem:$0x3F9C];
	s0 =	simm.s32 @p0 $0x1  }
0x13: {  	[smem:$0x3FB7] =	sst s0;
	s0 =	simm.s32 @!p1 $0x0  }
0x14: {  	s2 =	sld [smem:$0x3F9B];
	s0 =	simm.s32 @p1 $0x1  }
0x15: {  	[smem:$0x3FB8] =	sst s0;
	s0 =	simm.s32 @!p2 $0x0  }
0x16: {  	s3 =	sld [smem:$0x3FDB];
	s0 =	simm.s32 @p2 $0x1  }
0x17: {  	s4 =	simm.s32 $0x1BF5;
	[smem:$0x3FBA] =	sst s0  }
0x18: {  	s0 =	sld [smem:$0x3F9D];
	_ =	swait.ge [sflag:s4], $0x0  }
0x19: {  	s7 =	sld [smem:$0x3F9E]  }
0x1a: {  	s8 =	sadd.s32 $0xFFFFE003, lr  }
0x1b: {  	s9 =	sadd.s32 $0xFFFFFEF7, lr;
	s5 =	simm.s32 $0xFFFFFFFF;
	p2 =	slt.u32 s8, $0xFFFFF086  }
0x1c: {  	p1 =	slt.u32 s9, $0xF7A;
	s5 =	simm.s32 @!p2 $0x0  }
0x1d: {  	s5 =	simm.s32 @p1 $0x1;
	p0 =	seq.s32 s7, s2  }
0x1e: {  	s7 =	smul.u32 @!p0 $0xF7A, s2;
	p2 =	seq.s32 @!p0 s5, $0x0  }
0x1f: {  	s9 =	smul.u32 $0xF7A, s1;
	s8 =	simm.s32 @!p0 $0x1BF5;
	p2 =	por !p2, p0  }
0x20: {  	[sflag:s8] =	ssyncset.s32 @!p0 $0xFFFFF086;
	s6 =	sadd.s32 @!p0 s3, s7;
	s7 =	simm.s32 @!p0 $0x108  }
0x21: {  	s3 =	sadd.s32 s3, s9;
	s6 =	sadd.s32 @!p0 $0x88, s6;
	s7 =	simm.s32 @p2 $0x1082  }
0x22: {  	[simem:s7], [sflag:s8] =	dma.local @!p0 [hbm:s6], $0xF7A  }
0x23: {  	s9 =	sor.u32 $0xD0000000, s2;
	s6 =	simm.s32 $0x108;
	_ =	swait.ge @!p0 [sflag:s8], $0x0  }
0x24: {  	s3 =	sadd.s32 $0x88, s3;
	s6 =	simm.s32 @!p1 $0x1082;
	[sflag:s4] =	ssyncset.s32 $0xFFFFF086  }
0x25: {  	[simem:s6], [sflag:s4] =	dma.local [hbm:s3], $0xF7A  }
0x26: {  	[smem:$0x3F9E] =	sst s1;
	(tag) =	ssettag s2;
	_ =	strace s9  }
0x27: {  	s1 =	sld [smem:$0x3FAE]  }
0x28: {  	s2 =	sld [smem:$0x3FAF]  }
0x29: {  	s4 =	sld [smem:$0x3FB1]  }
0x2a: {  	p0 =	seq.s32 s5, $0x0;
	s5 =	sld [smem:$0x3FB2]  }
0x2b: {  	s6 =	sld [smem:$0x3FB3]  }
0x2c: {  	s7 =	sld [smem:$0x3FB4]  }
0x2d: {  	s3 =	simm.s32 $0x108;
	s8 =	sld [smem:$0x3FB5]  }
0x2e: {  	s3 =	simm.s32 @!p0 $0x1082;
	s9 =	sld [smem:$0x3FB6]  }
0x2f: {  	lr =	sadd.s32 s0, s3;
	s0 =	sld [smem:$0x3FAD]  }
0x30: {  	s3 =	sld [smem:$0x3FB0]  }
0x31: {  	[smem:$0x3FB9] =	sst s10  }
0x32: {  	s10 =	sld [smem:$0x3FB7];
	_ =	sdelay $0x3  }
0x33: {  	p0 =	seq.s32 s10, $0x1;
	s10 =	sld [smem:$0x3FB9];
	_ =	sdelay $0x3  }
0x34: {  	[smem:$0x3FB9] =	sst s10  }
0x35: {  	s10 =	sld [smem:$0x3FB8];
	_ =	sdelay $0x3  }
0x36: {  	p1 =	seq.s32 s10, $0x1;
	s10 =	sld [smem:$0x3FB9];
	_ =	sdelay $0x3  }
0x37: {  	[smem:$0x3FB9] =	sst s10  }
0x38: {  	s10 =	sld [smem:$0x3FBA]  }
0x39: {  	_ = 	snop;
	(pc) =	sbr.ind lr, $3  }
0x3a: {  	_ = 	snop  }
0x3b: {  	_ = 	snop  }
0x3c: {  	p2 =	seq.s32 s10, $0x1;
	s10 =	sld [smem:$0x3FB9]  }
0x3d: {  	_ =	shalt  }
0x3e: {  	_ =	shalt  }
0x3f: {  	_ =	shalt  }
0x40: {  	_ =	shalt  }
0x41: {  	_ =	shalt  }
0x42: {  	_ =	shalt  }
0x43: {  	_ =	shalt  }
0x44: {  	_ =	shalt  }
0x45: {  	_ =	shalt  }
0x46: {  	_ =	shalt  }
0x47: {  	_ =	shalt  }
0x48: {  	_ =	shalt  }
0x49: {  	_ =	shalt  }
0x4a: {  	_ =	shalt  }
0x4b: {  	_ =	shalt  }
0x4c: {  	_ =	shalt  }
0x4d: {  	_ =	shalt  }
0x4e: {  	_ =	shalt  }
0x4f: {  	_ =	shalt  }
0x50: {  	_ =	shalt  }
0x51: {  	_ =	shalt  }
0x52: {  	_ =	shalt  }
0x53: {  	_ =	shalt  }
0x54: {  	_ =	shalt  }
0x55: {  	_ =	shalt  }
0x56: {  	_ =	shalt  }
0x57: {  	_ =	shalt  }
0x58: {  	_ =	shalt  }
0x59: {  	_ =	shalt  }
0x5a: {  	_ =	shalt  }
0x5b: {  	_ =	shalt  }
0x5c: {  	_ =	shalt  }
0x5d: {  	_ =	shalt  }
0x5e: {  	_ =	shalt  }
0x5f: {  	_ =	shalt  }
0x60: {  	_ =	shalt  }
0x61: {  	_ =	shalt  }
0x62: {  	_ =	shalt  }
0x63: {  	_ =	shalt  }
0x64: {  	_ =	shalt  }
0x65: {  	_ =	shalt  }
0x66: {  	_ =	shalt  }
0x67: {  	_ =	shalt  }
0x68: {  	_ =	shalt  }
0x69: {  	_ =	shalt  }
0x6a: {  	_ =	shalt  }
0x6b: {  	_ =	shalt  }
0x6c: {  	_ =	shalt  }
0x6d: {  	_ =	shalt  }
0x6e: {  	_ =	shalt  }
0x6f: {  	_ =	shalt  }
0x70: {  	_ =	shalt  }
0x71: {  	_ =	shalt  }
0x72: {  	_ =	shalt  }
0x73: {  	_ =	shalt  }
0x74: {  	_ =	shalt  }
0x75: {  	_ =	shalt  }
0x76: {  	_ =	shalt  }
0x77: {  	_ =	shalt  }
0x78: {  	_ =	shalt  }
0x79: {  	_ =	shalt  }
0x7a: {  	_ =	shalt  }
0x7b: {  	_ =	shalt  }
0x7c: {  	_ =	shalt  }
0x7d: {  	_ =	shalt  }
0x7e: {  	_ =	shalt  }
0x7f: {  	_ =	shalt  }
0x80: {  	_ =	shalt  }
0x81: {  	_ =	shalt  }
0x82: {  	_ =	shalt  }
0x83: {  	_ =	shalt  }
0x84: {  	_ =	shalt  }
0x85: {  	_ =	shalt  }
0x86: {  	_ =	shalt  }
0x87: {  	_ =	shalt  }
.Lfunc_end0:
.L_simem_size_0:
called_computation_lowered:
.L_overlay_start_0:
0x88: {  	s2 =	sld [smem:$0x3FD9]  }
0x89: {  	s3 =	sld [smem:$0x3FFE];
	_ =	sdelay $0x1  }
0x8a: {  	s1 =	srdreg.scid  }
0x8b: {  	s0 =	sand.u32 $0x1, s1  }
0x8c: {  	s17 =	sshll.u32 s0, $0xA;
	s2 =	sadd.s32 s3, s2  }
0x8d: {  	s2 =	sadd.s32 s2, s17  }
0x8e: {  	[smem:$0x3FC5] =	sst s2  }
0x8f: {  	_ = 	snop  }
0x90: {  	s2 =	sld [smem:$0x3FD0];
	(tm) =	ssettm $0x1  }
0x91: {  	s18 =	sld [smem:$0x3FFB];
	_ =	sdelay $0x3  }
0x92: {  	_ =	strace s18  }
0x93: {  	s3 =	sld [smem:$0x3FFC];
	_ =	sdelay $0x3  }
0x94: {  	_ =	strace s3  }
0x95: {  	s3 =	sld [smem:$0x3FFD];
	_ =	sdelay $0x3  }
0x96: {  	_ =	strace s3  }
0x97: {  	_ =	strace $0x8FFFFFFF  }
0x98: {  	s19 =	sld [smem:$0x3FDB];
	_ =	sdelay $0x1  }
0x99: {  	s4 =	simm.s32 $_scs_section_size  }
0x9a: {  	s5 =	simm.s32 $_size__tile_overlayer_lowered;
	s6 =	simm.s32 $_tile_overlayer_lowered  }
0x9b: {  	s22 =	simm.s32 $0x1BFF;
	s21 =	sshll.u32 s6, $0x1;
	s3 =	sadd.s32 s4, s19  }
0x9c: {  	s7 =	simm.s32 $0x0;
	s20 =	sshll.u32 s5, $0x1;
	s5 =	sadd.s32 s21, s3  }
0x9d: {  	[timem:s7], [sflag:s22] =	dma.local [hbm:s5], s20  }
0x9e: {  	_ =	swait.ge [sflag:s22], s20  }
0x9f: {  	s4 =	ssub.s32 $0x0, s20;
	[sflag:s22] =	ssyncset.done $0x0  }
0xa0: {  	[sflag:s22] =	ssyncadd.s32 s4;
	_ =	sdelay $0x1  }
0xa1: {  	s23 =	simm.s32 $0x1B8B  }
0xa2: {  	_ =	swait.ge [sflag:s23], $0x1  }
0xa3: {  	[sflag:s23] =	ssyncset.done $0x0  }
0xa4: {  	s25 =	simm.s32 $0x1B8E;
	s24 =	sld [smem:$0x3FFE];
	[sflag:s23] =	ssyncadd.s32 $0xFFFFFFFF  }
0xa5: {  	s26 =	simm.s32 $execute0_lowered;
	[smem:$0x3FD2] =	sst s25  }
0xa6: {  	s5 =	sshll.u32 s26, $0x1;
	_ =	strace $0x80000046;
	[dreg:$0x1] =	wrdreg $0xFFFFFFFF  }
0xa7: {  	s28 =	simm.s32 $_size_execute0_lowered;
	s3 =	sadd.s32 s3, s5;
	[dreg:$0x0] =	wrdreg $0x0  }
0xa8: {  	s5 =	sshll.u32 s28, $0x1;
	[dreg:$0x2] =	wrdreg s3  }
0xa9: {  	[dreg:$0x3] =	wrdreg s5  }
0xaa: {  	[dreg:$0x4] =	wrdreg $0xC0  }
0xab: {  	_ =	task [dreg:s7], $0x5FFFF  }
0xac: {  	[dreg:$0x1] =	wrdreg $0xFFFFFFFF  }
0xad: {  	[dreg:$0x0] =	wrdreg $0x60  }
0xae: {  	[dreg:$0x2] =	wrdreg s24  }
0xaf: {  	[dreg:$0x3] =	wrdreg s2  }
0xb0: {  	[dreg:$0x4] =	wrdreg $0x104000  }
0xb1: {  	[dreg:$0x5] =	wrdreg $0x9  }
0xb2: {  	_ =	task.clear_ibuf [dreg:s7], $0x6FFFF;
	_ =	strace $0x90000046  }
0xb3: {  	s29 =	simm.s32 $0x9;
	_ =	strace $0x80000048  }
0xb4: {  	_ =	swait.ge [sflag:s29], $0x1  }
0xb5: {  	[sflag:s29] =	ssyncadd.s32 $0xFFFFFFFF  }
0xb6: {  	_ =	strace $0x90000048  }
0xb7: {  	_ =	sfence  }
0xb8: {  	s30 =	sld [smem:$0x0];
	_ =	sdelay $0x2  }
0xb9: {  	s31 =	sshll.u32 s1, $0xD;
	s1 =	sshrl.u32 s1, $0x2  }
0xba: {  	s3 =	sand.u32 $0x4000, s31;
	s1 =	sadd.s32 s1, s30  }
0xbb: {  	s0 =	sor.u32 s3, s0;
	s1 =	sshll.u32 s1, $0x11  }
0xbc: {  	s0 =	sor.u32 s1, s0  }
0xbd: {  	s0 =	sadd.s32 $0x8F2B, s0  }
0xbe: {  	[sflag:s0] =	ssyncadd.remote.s32 $0x1  }
0xbf: {  	_ =	sfence.sel $0xFFFF  }
0xc0: {  	[dreg:$0x0] =	wrdreg $0xFFFFFFFF;
	(pc) =	sbr.abs _section_cstart, $3  }
0xc1: {  	[dreg:$0x1] =	wrdreg $0xFFFFFFFF  }
0xc2: {  	_ =	task.clear_ibuf [dreg:s7], $0x2FFFF;
	_ =	strace $0x9FFFFFFF  }
0xc3: {  	(tm) =	ssettm $0x7FFFFFFF  }
tec
execute0_lowered:
.L_overlay_start_1:
0x0: {  	(tag) =	ssettag $0x1  }
0x1: {  	s4 =	rddreg [dreg:$0x0]  }
0x2: {  	s15 =	rddreg [dreg:$0x1];
	s1 =	srdreg.scid  }
0x3: {  	s2 =	rddreg [dreg:$0x2];
	s0 =	stileid.u32;
	s3 =	simm.s32 $0x0  }
0x4: {  	s10 =	simm.s32 $0x4;
	s18 =	sand.u32 $0x1, s1;
	s5 =	sshll.u32 s0, $0xA  }
0x5: {  	s7 =	smul.u32 $0x1F40, s0;
	s1 =	rddreg [dreg:$0x3];
	s6 =	sshll.u32 s18, $0x9  }
0x6: {  	[smem:$0x7FF] =	sst s3;
	s8 =	sshll.u32 s0, $0x6;
	s16 =	sor.u32 s6, s5  }
0x7: {  	_ =	strace $0x80000047;
	s31 =	sshrl.u32 s7, $0x3;
	s5 =	sshrl.u32 s16, $0x3  }
0x8: {  	s9 =	sadd.s32 s7, s2;
	s7 =	sor.u32 $0x1C04, s8;
	s5 =	sadd.s32 s5, s4  }
0x9: {  	s8 =	simm.s32 $0x200;
	s6 =	sadd.s32 s31, s4;
	s4 =	sadd.s32 $0xE00, s5  }
0xa: {  	[tilespmem:s3], [sflag:$0x1] =	stream.linear.gather [hbm4b:s4+s3], $0x200, $0x38;
	[tilespmem:$0x12340] =	vst v63  }
0xb: {  	s9 =	sshrl.u32 s9, $0x3;
	s6 =	sadd.s32 $0x1600, s6;
	s5 =	sadd.s32 $0x600, s5  }
0xc: {  	[tilespmem:s8], [sflag:$0x1] =	stream.linear.gather [hbm4b:s5+s3], $0x200, $0x38;
	[tilespmem:$0x12340] =	vst v63  }
0xd: {  	[spmem:s9], [sflag:s7] =	dma.local [hbm:s6], $0x3E8  }
0xe: {  	_ =	swait.ge [sflag:s10], $0x3E8  }
0xf: {  	[sflag:s10] =	ssyncset.done $0x0  }
0x10: {  	[sflag:s10] =	ssyncadd.s32 $0xFFFFFC18  }
0x11: {  	s11 =	simm.s32 $0x1;
	[bflag:$0x0] =	sbarrier.arrive $0xFFFF  }
0x12: {  	_ =	swait.ge [sflag:s11], $0x200  }
0x13: {  	[sflag:s11] =	ssyncset.done $0x0  }
0x14: {  	s12 =	simm.s32 $0x400;
	[sflag:s11] =	ssyncadd.s32 $0xFFFFFE00  }
0x15: {  	[tilespmem:s12], [sflag:$0x2] =	stream.indirect.gather [spmem:s2], $0x40, s3, s8, $0xb8;
	[tilespmem:$0x12340] =	vst v63  }
0x16: {  	_ =	swait.ge [sflag:s11], $0x200  }
0x17: {  	[sflag:s11] =	ssyncset.done $0x0  }
0x18: {  	s13 =	simm.s32 $0x8400;
	s14 =	simm.s32 $0x2;
	[sflag:s11] =	ssyncadd.s32 $0xFFFFFE00  }
0x19: {  	[tilespmem:s13], [sflag:$0x2] =	stream.indirect.gather [spmem:s2], $0x40, s8, s8, $0xb8;
	[tilespmem:$0x12340] =	vst v63  }
0x1a: {  	_ =	swait.ge [sflag:s14], $0x8000  }
0x1b: {  	[sflag:s14] =	ssyncset.done $0x0  }
0x1c: {  	s17 =	simm.s32 $0x80;
	s20 =	ssub.s32 $0x2, s18;
	[sflag:s14] =	ssyncadd.s32 $0xFFFF8000  }
0x1d: {  	s21 =	sshrl.u32 s20, $0x1;
	s16 =	sshll.u32 s16, $0x4;
	_ =	swait.ge [sflag:s14], $0x8000  }
0x1e: {  	s20 =	ssub.s32 s20, s21;
	s15 =	sadd.s32 s15, s16;
	[sflag:s14] =	ssyncset.done $0x0  }
0x1f: {  	s16 =	simm.s32 $0x40;
	s20 =	smax.u32 s20, $0x1;
	[sflag:s14] =	ssyncadd.s32 $0xFFFF8000  }
0x20: {  	[hbm4b:s15+s16] =	stream.strided.scatter [tilespmem:s12], [sflag:$0x3], $0x8000, s17, s16, $0x38;
	[tilespmem:$0x12340] =	vst v63  }
0x21: {  	s18 =	simm.s32 $0x3;
	s19 =	sadd.s32 $0x8, s15;
	p0 =	sne.s32 s20, $0x1  }
0x22: {  	[hbm4b:s19+s16] =	stream.strided.scatter [tilespmem:s13], [sflag:$0x3], $0x8000, s17, s16, $0x38;
	[tilespmem:$0x12340] =	vst v63  }
.Ltmp0:
0x23: {  	_ =	swait.ge [sflag:s18], $0x8000;
	(pc) =	sbr.rel @!p0 .LBB2_2-.Ltmp0, $4  }
0x24: {  	[sflag:s18] =	ssyncset.done $0x0  }
0x25: {  	[sflag:s18] =	ssyncadd.s32 $0xFFFF8000  }
0x26: {  	_ =	swait.ge [sflag:s18], $0x8000  }
0x27: {  	s20 =	sadd.s32 $0xFFFFFFFF, s20;
	[sflag:s18] =	ssyncset.done $0x0  }
.LBB2_1:
0x28: {  	p0 =	sne.s32 s20, $0x1;
	s20 =	sadd.s32 $0xFFFFFFFF, s20;
	[sflag:s18] =	ssyncadd.s32 $0xFFFF8000  }
0x29: {  	[tilespmem:s3], [sflag:$0x1] =	stream.linear.gather [hbm4b:s4+s3], $0x200, $0x38;
	[tilespmem:$0x12340] =	vst v63  }
0x2a: {  	_ = 	snop  }
0x2b: {  	[tilespmem:s8], [sflag:$0x1] =	stream.linear.gather [hbm4b:s5+s3], $0x200, $0x38;
	[tilespmem:$0x12340] =	vst v63  }
0x2c: {  	[spmem:s9], [sflag:s7] =	dma.local [hbm:s6], $0x3E8  }
0x2d: {  	_ =	swait.ge [sflag:s10], $0x3E8  }
0x2e: {  	[sflag:s10] =	ssyncset.done $0x0  }
0x2f: {  	[sflag:s10] =	ssyncadd.s32 $0xFFFFFC18  }
0x30: {  	[bflag:$0x0] =	sbarrier.arrive $0xFFFF  }
0x31: {  	_ =	swait.ge [sflag:s11], $0x200  }
0x32: {  	[sflag:s11] =	ssyncset.done $0x0  }
0x33: {  	[sflag:s11] =	ssyncadd.s32 $0xFFFFFE00  }
0x34: {  	[tilespmem:s12], [sflag:$0x2] =	stream.indirect.gather [spmem:s2], $0x40, s3, s8, $0xb8;
	[tilespmem:$0x12340] =	vst v63  }
0x35: {  	_ =	swait.ge [sflag:s11], $0x200  }
0x36: {  	[sflag:s11] =	ssyncset.done $0x0  }
0x37: {  	[sflag:s11] =	ssyncadd.s32 $0xFFFFFE00  }
0x38: {  	[tilespmem:s13], [sflag:$0x2] =	stream.indirect.gather [spmem:s2], $0x40, s8, s8, $0xb8;
	[tilespmem:$0x12340] =	vst v63  }
0x39: {  	_ =	swait.ge [sflag:s14], $0x8000  }
0x3a: {  	[sflag:s14] =	ssyncset.done $0x0  }
0x3b: {  	[sflag:s14] =	ssyncadd.s32 $0xFFFF8000  }
0x3c: {  	_ =	swait.ge [sflag:s14], $0x8000  }
0x3d: {  	[sflag:s14] =	ssyncset.done $0x0  }
0x3e: {  	[sflag:s14] =	ssyncadd.s32 $0xFFFF8000  }
0x3f: {  	[hbm4b:s15+s16] =	stream.strided.scatter [tilespmem:s12], [sflag:$0x3], $0x8000, s17, s16, $0x38;
	[tilespmem:$0x12340] =	vst v63  }
0x40: {  	_ = 	snop  }
0x41: {  	[hbm4b:s19+s16] =	stream.strided.scatter [tilespmem:s13], [sflag:$0x3], $0x8000, s17, s16, $0x38;
	[tilespmem:$0x12340] =	vst v63  }
.Ltmp1:
0x42: {  	_ =	swait.ge [sflag:s18], $0x8000;
	(pc) =	sbr.rel @p0 .LBB2_1-.Ltmp1, $4  }
0x43: {  	[sflag:s18] =	ssyncset.done $0x0  }
0x44: {  	[sflag:s18] =	ssyncadd.s32 $0xFFFF8000  }
0x45: {  	_ =	swait.ge [sflag:s18], $0x8000  }
0x46: {  	[sflag:s18] =	ssyncset.done $0x0  }
.LBB2_2:
0x47: {  	[sflag:s18] =	ssyncadd.s32 $0xFFFF8000  }
0x48: {  	_ =	sfence.sel $0x180000  }
0x49: {  	[bflag:$0x0] =	sbarrier.arrive $0xFFFF  }
0x4a: {  	p0 =	sne.s32 s0, $0x0;
	_ =	strace $0x90000047  }
0x4b: {  	s0 =	sadd.s32 @!p0 $0x100000, s1;
	[bflag:$0x2] =	sbarrier.arrive $0xFFFF  }
0x4c: {  	[sflag:s0] =	ssyncadd.tile.s32 @!p0 $0x1;
	_ =	shalt  }
.Lfunc_end2:
_tile_overlayer_lowered:
.L_overlay_start_2:
0x4d: {  	(tag) =	ssettag $0x2  }
0x4e: {  	s0 =	rddreg [dreg:$0x0];
	s2 =	stileid.u32  }
0x4f: {  	s1 =	rddreg [dreg:$0x1];
	p0 =	sne.s32 s2, $0x0  }
0x50: {  	s3 =	rddreg [dreg:$0x2];
	[bflag:$0x3] =	sbarrier.arrive $0xFFFF;
	s2 =	simm.s32 @!p0 $0x1C04  }
0x51: {  	[timem:s3], [sflag:s2] =	dma.local @!p0 [hbm:s0], s1  }
0x52: {  	s0 =	simm.s32 @!p0 $0x4  }
0x53: {  	_ =	swait.ge @!p0 [sflag:s0], s1  }
0x54: {  	s1 =	ssub.s32 @!p0 $0x0, s1;
	[sflag:s0] =	ssyncset.done @!p0 $0x0  }
0x55: {  	[sflag:s0] =	ssyncadd.s32 @!p0 s1  }
0x56: {  	[bflag:$0x3] =	sbarrier.arrive $0xFFFF  }
0x57: {  	_ =	shalt  }

</sc_bundles>
